<compile_context>
chip_gen: v7x
topology: tpu7x:2x2x1
jax: 0.10.2.dev20260603
libtpu: 0.0.44.dev20260713+nightly
codegen_flags: <defaults>
</compile_context>

<pallas_src>
import functools

import jax
import jax.numpy as jnp
from jax import lax
from jax.experimental import pallas as pl
from jax.experimental.pallas import tpu as pltpu
from jax.experimental.pallas import tpu_sc as plsc

_N = 16777216
_NC = 2
_NS = 16
_NW = _NC * _NS
_PER_W = _N // _NW
_CHUNK = 16384
_NCHUNK = _PER_W // _CHUNK
_VPC = _CHUNK // 16

_mesh = plsc.VectorSubcoreMesh(core_axis_name="c", subcore_axis_name="s")


def _compute(src, dst):
    @plsc.parallel_loop(0, _CHUNK, 16, unroll=8)
    def vec_body(vi):
        v = src[pl.ds(vi, 16)]
        dst[pl.ds(vi, 16)] = jnp.where(v > 1.0, 1.0, 0.0)


@functools.partial(
    pl.kernel,
    mesh=_mesh,
    out_type=jax.ShapeDtypeStruct((_N,), jnp.float32),
    scratch_types=[
        pltpu.VMEM((_CHUNK,), jnp.float32),
        pltpu.VMEM((_CHUNK,), jnp.float32),
        pltpu.VMEM((_CHUNK,), jnp.float32),
        pltpu.VMEM((_CHUNK,), jnp.float32),
        pltpu.SemaphoreType.DMA,
        pltpu.SemaphoreType.DMA,
        pltpu.SemaphoreType.DMA,
        pltpu.SemaphoreType.DMA,
    ],
)
def _sc_binarize(x_hbm, o_hbm, in0, in1, out0, out1, gs0, gs1, ss0, ss1):
    slots = ((in0, out0, gs0, ss0), (in1, out1, gs1, ss1))
    wid = lax.axis_index("s") * _NC + lax.axis_index("c")
    base = wid * _PER_W

    def gather(ci, ib, gs):
        pltpu.make_async_copy(
            x_hbm.at[pl.ds(base + ci * _CHUNK, _CHUNK)], ib, gs).start()

    def gather_wait(ci, ib, gs):
        pltpu.make_async_copy(
            x_hbm.at[pl.ds(base + ci * _CHUNK, _CHUNK)], ib, gs).wait()

    def scatter(ci, ob, ss):
        pltpu.make_async_copy(
            ob, o_hbm.at[pl.ds(base + ci * _CHUNK, _CHUNK)], ss).start()

    def scatter_wait(ci, ob, ss):
        pltpu.make_async_copy(
            ob, o_hbm.at[pl.ds(base + ci * _CHUNK, _CHUNK)], ss).wait()

    gather(0, in0, gs0)
    gather(1, in1, gs1)

    for b in range(2):
        ib, ob, gs, ss = slots[b]
        gather_wait(b, ib, gs)
        _compute(ib, ob)
        scatter(b, ob, ss)
        gather(b + 2, ib, gs)

    def group_body(g, carry):
        for b in range(2):
            ib, ob, gs, ss = slots[b]
            ci = 2 * g + b
            gather_wait(ci, ib, gs)
            scatter_wait(ci - 2, ob, ss)
            _compute(ib, ob)
            scatter(ci, ob, ss)
            gather(ci + 2, ib, gs)
        return carry

    lax.fori_loop(1, _NCHUNK // 2 - 1, group_body, 0)

    for b in range(2):
        ib, ob, gs, ss = slots[b]
        ci = _NCHUNK - 2 + b
        gather_wait(ci, ib, gs)
        scatter_wait(ci - 2, ob, ss)
        _compute(ib, ob)
        scatter(ci, ob, ss)
    for b in range(2):
        ib, ob, gs, ss = slots[b]
        scatter_wait(_NCHUNK - 2 + b, ob, ss)


def kernel(x):
    return _sc_binarize(x)

# --- scband reference (transcript-rebuilt; emitter-appended) ---
"""Pipeline reference for scband-net-11879879542578 (READ-ONLY COPY).

The authoritative reference and input builder live on the scoring server;
editing this copy changes nothing except your own understanding.
"""

import jax, jax.numpy as jnp
import numpy as np


def setup_inputs(seed: int = 0) -> dict:
    key = jax.random.key(seed)
    x = jax.random.normal(key, (16777216,), dtype=jnp.float32)
    return {"x": x}


def reference(x):
    # Faithful translation of:
    #   x = x.clone(); x[x <= 1] = 0; x[x > 1] = 1
    # First masked overwrite: values <= 1 become 0.
    x = jnp.where(x <= 1, jnp.zeros_like(x), x)
    # Second masked overwrite on the UPDATED tensor: values > 1 become 1.
    x = jnp.where(x > 1, jnp.ones_like(x), x)
    return x

if __name__ == "__main__":
    import jax
    _d = setup_inputs()
    print(jax.jit(kernel)(*tuple(_d.values())))

</pallas_src>

<mosaic_0001>
#map = affine_map<(d0, d1) -> (0)>
module attributes {stable_mosaic.version = 14 : i64} {
  func.func @_sc_binarize(%arg0: i32, %arg1: i32, %arg2: memref<16777216xf32, #tpu.memory_space<hbm>>, %arg3: memref<16777216xf32, #tpu.memory_space<hbm>>, %arg4: memref<16384xf32, #tpu.memory_space<vmem>>, %arg5: memref<16384xf32, #tpu.memory_space<vmem>>, %arg6: memref<16384xf32, #tpu.memory_space<vmem>>, %arg7: memref<16384xf32, #tpu.memory_space<vmem>>, %arg8: memref<!tpu.dma_semaphore, #tpu.memory_space<semaphore_mem>>, %arg9: memref<!tpu.dma_semaphore, #tpu.memory_space<semaphore_mem>>, %arg10: memref<!tpu.dma_semaphore, #tpu.memory_space<semaphore_mem>>, %arg11: memref<!tpu.dma_semaphore, #tpu.memory_space<semaphore_mem>>) attributes {dimension_semantics = [#tpu.dimension_semantics<core_parallel>, #tpu.dimension_semantics<subcore_parallel>], iteration_bounds = array<i64: 2, 16>, scalar_prefetch = 0 : i64, scratch_operands = 8 : i64, tpu.core_type = #tpu.core_type<sc_vector_subcore>, window_params = [{transform_indices = #map}, {transform_indices = #map}]} {
    %mul3A = arith.constant 2 : i32
    %mul3A_0 = arith.muli %arg1, %mul3A : i32
    %add3A = arith.addi %mul3A_0, %arg0 : i32
    %mul3A_1 = arith.constant 524288 : i32
    %mul3A_2 = arith.muli %add3A, %mul3A_1 : i32
    %add3A_3 = arith.constant 0 : i32
    %add3A_4 = arith.addi %mul3A_2, %add3A_3 : i32
    %dma_start3A = tpu.memref_slice %arg2[%add3A_4] : memref<16777216xf32, #tpu.memory_space<hbm>> -> memref<16384xf32, #tpu.memory_space<hbm>>
    %dma_start3A_5 = tpu.memref_slice %arg2[%add3A_4] : memref<16777216xf32, #tpu.memory_space<hbm>> -> memref<16384xf32, #tpu.memory_space<hbm>>
    tpu.enqueue_dma source(%dma_start3A_5 : memref<16384xf32, #tpu.memory_space<hbm>>) target(%arg4 : memref<16384xf32, #tpu.memory_space<vmem>>) target_semaphore(%arg8 : memref<!tpu.dma_semaphore, #tpu.memory_space<semaphore_mem>>)
    %add3A_6 = arith.constant 16384 : i32
    %add3A_7 = arith.addi %mul3A_2, %add3A_6 : i32
    %dma_start3A_8 = tpu.memref_slice %arg2[%add3A_7] : memref<16777216xf32, #tpu.memory_space<hbm>> -> memref<16384xf32, #tpu.memory_space<hbm>>
    %dma_start3A_9 = tpu.memref_slice %arg2[%add3A_7] : memref<16777216xf32, #tpu.memory_space<hbm>> -> memref<16384xf32, #tpu.memory_space<hbm>>
    tpu.enqueue_dma source(%dma_start3A_9 : memref<16384xf32, #tpu.memory_space<hbm>>) target(%arg5 : memref<16384xf32, #tpu.memory_space<vmem>>) target_semaphore(%arg9 : memref<!tpu.dma_semaphore, #tpu.memory_space<semaphore_mem>>)
    %add3A_10 = arith.constant 0 : i32
    %add3A_11 = arith.addi %mul3A_2, %add3A_10 : i32
    %dma_wait3A = tpu.memref_slice %arg2[%add3A_11] : memref<16777216xf32, #tpu.memory_space<hbm>> -> memref<16384xf32, #tpu.memory_space<hbm>>
    %dma_wait3A_12 = tpu.memref_slice %arg2[%add3A_11] : memref<16777216xf32, #tpu.memory_space<hbm>> -> memref<16384xf32, #tpu.memory_space<hbm>>
    tpu.wait_dma2 semaphore(%arg8 : memref<!tpu.dma_semaphore, #tpu.memory_space<semaphore_mem>>) src(%dma_wait3A_12 : memref<16384xf32, #tpu.memory_space<hbm>>) dst(%arg4 : memref<16384xf32, #tpu.memory_space<vmem>>)
    %parallel_loop3A = arith.constant 0 : i32
    %parallel_loop3A_13 = arith.constant 16384 : i32
    %parallel_loop3A_14 = arith.constant 16 : i32
    scf.for %parallel_loop3A_81 = %parallel_loop3A to %parallel_loop3A_13 step %parallel_loop3A_14  : i32 {
      %parallel_loop3A_82 = arith.index_cast %parallel_loop3A_81 : i32 to index
      %parallel_loop3A_83 = tpu.vector_load %arg4[%parallel_loop3A_82] {strides = array<i32>} : memref<16384xf32, #tpu.memory_space<vmem>>, vector<16xf32>,
      %parallel_loop3A_84 = vector.shape_cast %parallel_loop3A_83 : vector<16xf32> to vector<16xf32>
      %parallel_loop3A_85 = arith.constant 1.000000e+00 : f32
      %parallel_loop3A_86 = vector.broadcast %parallel_loop3A_85 : f32 to vector<16xf32>
      %parallel_loop3A_87 = arith.cmpf ogt, %parallel_loop3A_84, %parallel_loop3A_86 : vector<16xf32>
      %parallel_loop3A_88 = arith.constant 1.000000e+00 : f32
      %parallel_loop3A_89 = arith.constant 0.000000e+00 : f32
      %parallel_loop3A_90 = vector.broadcast %parallel_loop3A_88 : f32 to vector<16xf32>
      %parallel_loop3A_91 = vector.broadcast %parallel_loop3A_89 : f32 to vector<16xf32>
      %parallel_loop3A_92 = arith.select %parallel_loop3A_87, %parallel_loop3A_90, %parallel_loop3A_91 : vector<16xi1>, vector<16xf32>
      %parallel_loop3A_93 = arith.index_cast %parallel_loop3A_81 : i32 to index
      %parallel_loop3A_94 = tpu.vector_load %arg6[%parallel_loop3A_93] {strides = array<i32>} : memref<16384xf32, #tpu.memory_space<vmem>>, vector<16xf32>,
      %parallel_loop3A_95 = vector.shape_cast %parallel_loop3A_94 : vector<16xf32> to vector<16xf32>
      %parallel_loop3A_96 = vector.shape_cast %parallel_loop3A_92 : vector<16xf32> to vector<16xf32>
      tpu.vector_store %arg6[%parallel_loop3A_93], %parallel_loop3A_96 {strides = array<i32>} : memref<16384xf32, #tpu.memory_space<vmem>>, vector<16xf32>,
    } {sc.loop_unroll_factor = 8 : i64, sc.parallel_access}
    %add3A_15 = arith.constant 0 : i32
    %add3A_16 = arith.addi %mul3A_2, %add3A_15 : i32
    %dma_start3A_17 = tpu.memref_slice %arg3[%add3A_16] : memref<16777216xf32, #tpu.memory_space<hbm>> -> memref<16384xf32, #tpu.memory_space<hbm>>
    %dma_start3A_18 = tpu.memref_slice %arg3[%add3A_16] : memref<16777216xf32, #tpu.memory_space<hbm>> -> memref<16384xf32, #tpu.memory_space<hbm>>
    tpu.enqueue_dma source(%arg6 : memref<16384xf32, #tpu.memory_space<vmem>>) target(%dma_start3A_18 : memref<16384xf32, #tpu.memory_space<hbm>>) target_semaphore(%arg10 : memref<!tpu.dma_semaphore, #tpu.memory_space<semaphore_mem>>)
    %add3A_19 = arith.constant 32768 : i32
    %add3A_20 = arith.addi %mul3A_2, %add3A_19 : i32
    %dma_start3A_21 = tpu.memref_slice %arg2[%add3A_20] : memref<16777216xf32, #tpu.memory_space<hbm>> -> memref<16384xf32, #tpu.memory_space<hbm>>
    %dma_start3A_22 = tpu.memref_slice %arg2[%add3A_20] : memref<16777216xf32, #tpu.memory_space<hbm>> -> memref<16384xf32, #tpu.memory_space<hbm>>
    tpu.enqueue_dma source(%dma_start3A_22 : memref<16384xf32, #tpu.memory_space<hbm>>) target(%arg4 : memref<16384xf32, #tpu.memory_space<vmem>>) target_semaphore(%arg8 : memref<!tpu.dma_semaphore, #tpu.memory_space<semaphore_mem>>)
    %add3A_23 = arith.constant 16384 : i32
    %add3A_24 = arith.addi %mul3A_2, %add3A_23 : i32
    %dma_wait3A_25 = tpu.memref_slice %arg2[%add3A_24] : memref<16777216xf32, #tpu.memory_space<hbm>> -> memref<16384xf32, #tpu.memory_space<hbm>>
    %dma_wait3A_26 = tpu.memref_slice %arg2[%add3A_24] : memref<16777216xf32, #tpu.memory_space<hbm>> -> memref<16384xf32, #tpu.memory_space<hbm>>
    tpu.wait_dma2 semaphore(%arg9 : memref<!tpu.dma_semaphore, #tpu.memory_space<semaphore_mem>>) src(%dma_wait3A_26 : memref<16384xf32, #tpu.memory_space<hbm>>) dst(%arg5 : memref<16384xf32, #tpu.memory_space<vmem>>)
    %parallel_loop3A_27 = arith.constant 0 : i32
    %parallel_loop3A_28 = arith.constant 16384 : i32
    %parallel_loop3A_29 = arith.constant 16 : i32
    scf.for %parallel_loop3A_81 = %parallel_loop3A_27 to %parallel_loop3A_28 step %parallel_loop3A_29  : i32 {
      %parallel_loop3A_82 = arith.index_cast %parallel_loop3A_81 : i32 to index
      %parallel_loop3A_83 = tpu.vector_load %arg5[%parallel_loop3A_82] {strides = array<i32>} : memref<16384xf32, #tpu.memory_space<vmem>>, vector<16xf32>,
      %parallel_loop3A_84 = vector.shape_cast %parallel_loop3A_83 : vector<16xf32> to vector<16xf32>
      %parallel_loop3A_85 = arith.constant 1.000000e+00 : f32
      %parallel_loop3A_86 = vector.broadcast %parallel_loop3A_85 : f32 to vector<16xf32>
      %parallel_loop3A_87 = arith.cmpf ogt, %parallel_loop3A_84, %parallel_loop3A_86 : vector<16xf32>
      %parallel_loop3A_88 = arith.constant 1.000000e+00 : f32
      %parallel_loop3A_89 = arith.constant 0.000000e+00 : f32
      %parallel_loop3A_90 = vector.broadcast %parallel_loop3A_88 : f32 to vector<16xf32>
      %parallel_loop3A_91 = vector.broadcast %parallel_loop3A_89 : f32 to vector<16xf32>
      %parallel_loop3A_92 = arith.select %parallel_loop3A_87, %parallel_loop3A_90, %parallel_loop3A_91 : vector<16xi1>, vector<16xf32>
      %parallel_loop3A_93 = arith.index_cast %parallel_loop3A_81 : i32 to index
      %parallel_loop3A_94 = tpu.vector_load %arg7[%parallel_loop3A_93] {strides = array<i32>} : memref<16384xf32, #tpu.memory_space<vmem>>, vector<16xf32>,
      %parallel_loop3A_95 = vector.shape_cast %parallel_loop3A_94 : vector<16xf32> to vector<16xf32>
      %parallel_loop3A_96 = vector.shape_cast %parallel_loop3A_92 : vector<16xf32> to vector<16xf32>
      tpu.vector_store %arg7[%parallel_loop3A_93], %parallel_loop3A_96 {strides = array<i32>} : memref<16384xf32, #tpu.memory_space<vmem>>, vector<16xf32>,
    } {sc.loop_unroll_factor = 8 : i64, sc.parallel_access}
    %add3A_30 = arith.constant 16384 : i32
    %add3A_31 = arith.addi %mul3A_2, %add3A_30 : i32
    %dma_start3A_32 = tpu.memref_slice %arg3[%add3A_31] : memref<16777216xf32, #tpu.memory_space<hbm>> -> memref<16384xf32, #tpu.memory_space<hbm>>
    %dma_start3A_33 = tpu.memref_slice %arg3[%add3A_31] : memref<16777216xf32, #tpu.memory_space<hbm>> -> memref<16384xf32, #tpu.memory_space<hbm>>
    tpu.enqueue_dma source(%arg7 : memref<16384xf32, #tpu.memory_space<vmem>>) target(%dma_start3A_33 : memref<16384xf32, #tpu.memory_space<hbm>>) target_semaphore(%arg11 : memref<!tpu.dma_semaphore, #tpu.memory_space<semaphore_mem>>)
    %add3A_34 = arith.constant 49152 : i32
    %add3A_35 = arith.addi %mul3A_2, %add3A_34 : i32
    %dma_start3A_36 = tpu.memref_slice %arg2[%add3A_35] : memref<16777216xf32, #tpu.memory_space<hbm>> -> memref<16384xf32, #tpu.memory_space<hbm>>
    %dma_start3A_37 = tpu.memref_slice %arg2[%add3A_35] : memref<16777216xf32, #tpu.memory_space<hbm>> -> memref<16384xf32, #tpu.memory_space<hbm>>
    tpu.enqueue_dma source(%dma_start3A_37 : memref<16384xf32, #tpu.memory_space<hbm>>) target(%arg5 : memref<16384xf32, #tpu.memory_space<vmem>>) target_semaphore(%arg9 : memref<!tpu.dma_semaphore, #tpu.memory_space<semaphore_mem>>)
    %scan3A = arith.constant 0 : i32
    %scan3A_38 = arith.constant 1 : i32
    %scan3A_39 = arith.constant 14 : i32
    %scan3A_40 = arith.addi %scan3A_38, %scan3A_39 : i32
    %scan3A_41 = arith.constant 1 : i32
    scf.for %scan3A_81 = %scan3A_38 to %scan3A_40 step %scan3A_41  : i32 {
      %mul3A_82 = arith.constant 2 : i32
      %mul3A_83 = arith.muli %mul3A_82, %scan3A_81 : i32
      %add3A_84 = arith.constant 0 : i32
      %add3A_85 = arith.addi %mul3A_83, %add3A_84 : i32
      %mul3A_86 = arith.constant 16384 : i32
      %mul3A_87 = arith.muli %add3A_85, %mul3A_86 : i32
      %add3A_88 = arith.addi %mul3A_2, %mul3A_87 : i32
      %dma_wait3A_89 = tpu.memref_slice %arg2[%add3A_88] : memref<16777216xf32, #tpu.memory_space<hbm>> -> memref<16384xf32, #tpu.memory_space<hbm>>
      %dma_wait3A_90 = tpu.memref_slice %arg2[%add3A_88] : memref<16777216xf32, #tpu.memory_space<hbm>> -> memref<16384xf32, #tpu.memory_space<hbm>>
      tpu.wait_dma2 semaphore(%arg8 : memref<!tpu.dma_semaphore, #tpu.memory_space<semaphore_mem>>) src(%dma_wait3A_90 : memref<16384xf32, #tpu.memory_space<hbm>>) dst(%arg4 : memref<16384xf32, #tpu.memory_space<vmem>>)
      %sub3A = arith.constant 2 : i32
      %sub3A_91 = arith.subi %add3A_85, %sub3A : i32
      %mul3A_92 = arith.constant 16384 : i32
      %mul3A_93 = arith.muli %sub3A_91, %mul3A_92 : i32
      %add3A_94 = arith.addi %mul3A_2, %mul3A_93 : i32
      %dma_wait3A_95 = tpu.memref_slice %arg3[%add3A_94] : memref<16777216xf32, #tpu.memory_space<hbm>> -> memref<16384xf32, #tpu.memory_space<hbm>>
      %dma_wait3A_96 = tpu.memref_slice %arg3[%add3A_94] : memref<16777216xf32, #tpu.memory_space<hbm>> -> memref<16384xf32, #tpu.memory_space<hbm>>
      tpu.wait_dma2 semaphore(%arg10 : memref<!tpu.dma_semaphore, #tpu.memory_space<semaphore_mem>>) src(%arg6 : memref<16384xf32, #tpu.memory_space<vmem>>) dst(%dma_wait3A_96 : memref<16384xf32, #tpu.memory_space<hbm>>)
      %parallel_loop3A_97 = arith.constant 0 : i32
      %parallel_loop3A_98 = arith.constant 16384 : i32
      %parallel_loop3A_99 = arith.constant 16 : i32
      scf.for %parallel_loop3A_143 = %parallel_loop3A_97 to %parallel_loop3A_98 step %parallel_loop3A_99  : i32 {
        %parallel_loop3A_144 = arith.index_cast %parallel_loop3A_143 : i32 to index
        %parallel_loop3A_145 = tpu.vector_load %arg4[%parallel_loop3A_144] {strides = array<i32>} : memref<16384xf32, #tpu.memory_space<vmem>>, vector<16xf32>,
        %parallel_loop3A_146 = vector.shape_cast %parallel_loop3A_145 : vector<16xf32> to vector<16xf32>
        %parallel_loop3A_147 = arith.constant 1.000000e+00 : f32
        %parallel_loop3A_148 = vector.broadcast %parallel_loop3A_147 : f32 to vector<16xf32>
        %parallel_loop3A_149 = arith.cmpf ogt, %parallel_loop3A_146, %parallel_loop3A_148 : vector<16xf32>
        %parallel_loop3A_150 = arith.constant 1.000000e+00 : f32
        %parallel_loop3A_151 = arith.constant 0.000000e+00 : f32
        %parallel_loop3A_152 = vector.broadcast %parallel_loop3A_150 : f32 to vector<16xf32>
        %parallel_loop3A_153 = vector.broadcast %parallel_loop3A_151 : f32 to vector<16xf32>
        %parallel_loop3A_154 = arith.select %parallel_loop3A_149, %parallel_loop3A_152, %parallel_loop3A_153 : vector<16xi1>, vector<16xf32>
        %parallel_loop3A_155 = arith.index_cast %parallel_loop3A_143 : i32 to index
        %parallel_loop3A_156 = tpu.vector_load %arg6[%parallel_loop3A_155] {strides = array<i32>} : memref<16384xf32, #tpu.memory_space<vmem>>, vector<16xf32>,
        %parallel_loop3A_157 = vector.shape_cast %parallel_loop3A_156 : vector<16xf32> to vector<16xf32>
        %parallel_loop3A_158 = vector.shape_cast %parallel_loop3A_154 : vector<16xf32> to vector<16xf32>
        tpu.vector_store %arg6[%parallel_loop3A_155], %parallel_loop3A_158 {strides = array<i32>} : memref<16384xf32, #tpu.memory_space<vmem>>, vector<16xf32>,
      } {sc.loop_unroll_factor = 8 : i64, sc.parallel_access}
      %mul3A_100 = arith.constant 16384 : i32
      %mul3A_101 = arith.muli %add3A_85, %mul3A_100 : i32
      %add3A_102 = arith.addi %mul3A_2, %mul3A_101 : i32
      %dma_start3A_103 = tpu.memref_slice %arg3[%add3A_102] : memref<16777216xf32, #tpu.memory_space<hbm>> -> memref<16384xf32, #tpu.memory_space<hbm>>
      %dma_start3A_104 = tpu.memref_slice %arg3[%add3A_102] : memref<16777216xf32, #tpu.memory_space<hbm>> -> memref<16384xf32, #tpu.memory_space<hbm>>
      tpu.enqueue_dma source(%arg6 : memref<16384xf32, #tpu.memory_space<vmem>>) target(%dma_start3A_104 : memref<16384xf32, #tpu.memory_space<hbm>>) target_semaphore(%arg10 : memref<!tpu.dma_semaphore, #tpu.memory_space<semaphore_mem>>)
      %add3A_105 = arith.constant 2 : i32
      %add3A_106 = arith.addi %add3A_85, %add3A_105 : i32
      %mul3A_107 = arith.constant 16384 : i32
      %mul3A_108 = arith.muli %add3A_106, %mul3A_107 : i32
      %add3A_109 = arith.addi %mul3A_2, %mul3A_108 : i32
      %dma_start3A_110 = tpu.memref_slice %arg2[%add3A_109] : memref<16777216xf32, #tpu.memory_space<hbm>> -> memref<16384xf32, #tpu.memory_space<hbm>>
      %dma_start3A_111 = tpu.memref_slice %arg2[%add3A_109] : memref<16777216xf32, #tpu.memory_space<hbm>> -> memref<16384xf32, #tpu.memory_space<hbm>>
      tpu.enqueue_dma source(%dma_start3A_111 : memref<16384xf32, #tpu.memory_space<hbm>>) target(%arg4 : memref<16384xf32, #tpu.memory_space<vmem>>) target_semaphore(%arg8 : memref<!tpu.dma_semaphore, #tpu.memory_space<semaphore_mem>>)
      %mul3A_112 = arith.constant 2 : i32
      %mul3A_113 = arith.muli %mul3A_112, %scan3A_81 : i32
      %add3A_114 = arith.constant 1 : i32
      %add3A_115 = arith.addi %mul3A_113, %add3A_114 : i32
      %mul3A_116 = arith.constant 16384 : i32
      %mul3A_117 = arith.muli %add3A_115, %mul3A_116 : i32
      %add3A_118 = arith.addi %mul3A_2, %mul3A_117 : i32
      %dma_wait3A_119 = tpu.memref_slice %arg2[%add3A_118] : memref<16777216xf32, #tpu.memory_space<hbm>> -> memref<16384xf32, #tpu.memory_space<hbm>>
      %dma_wait3A_120 = tpu.memref_slice %arg2[%add3A_118] : memref<16777216xf32, #tpu.memory_space<hbm>> -> memref<16384xf32, #tpu.memory_space<hbm>>
      tpu.wait_dma2 semaphore(%arg9 : memref<!tpu.dma_semaphore, #tpu.memory_space<semaphore_mem>>) src(%dma_wait3A_120 : memref<16384xf32, #tpu.memory_space<hbm>>) dst(%arg5 : memref<16384xf32, #tpu.memory_space<vmem>>)
      %sub3A_121 = arith.constant 2 : i32
      %sub3A_122 = arith.subi %add3A_115, %sub3A_121 : i32
      %mul3A_123 = arith.constant 16384 : i32
      %mul3A_124 = arith.muli %sub3A_122, %mul3A_123 : i32
      %add3A_125 = arith.addi %mul3A_2, %mul3A_124 : i32
      %dma_wait3A_126 = tpu.memref_slice %arg3[%add3A_125] : memref<16777216xf32, #tpu.memory_space<hbm>> -> memref<16384xf32, #tpu.memory_space<hbm>>
      %dma_wait3A_127 = tpu.memref_slice %arg3[%add3A_125] : memref<16777216xf32, #tpu.memory_space<hbm>> -> memref<16384xf32, #tpu.memory_space<hbm>>
      tpu.wait_dma2 semaphore(%arg11 : memref<!tpu.dma_semaphore, #tpu.memory_space<semaphore_mem>>) src(%arg7 : memref<16384xf32, #tpu.memory_space<vmem>>) dst(%dma_wait3A_127 : memref<16384xf32, #tpu.memory_space<hbm>>)
      %parallel_loop3A_128 = arith.constant 0 : i32
      %parallel_loop3A_129 = arith.constant 16384 : i32
      %parallel_loop3A_130 = arith.constant 16 : i32
      scf.for %parallel_loop3A_143 = %parallel_loop3A_128 to %parallel_loop3A_129 step %parallel_loop3A_130  : i32 {
        %parallel_loop3A_144 = arith.index_cast %parallel_loop3A_143 : i32 to index
        %parallel_loop3A_145 = tpu.vector_load %arg5[%parallel_loop3A_144] {strides = array<i32>} : memref<16384xf32, #tpu.memory_space<vmem>>, vector<16xf32>,
        %parallel_loop3A_146 = vector.shape_cast %parallel_loop3A_145 : vector<16xf32> to vector<16xf32>
        %parallel_loop3A_147 = arith.constant 1.000000e+00 : f32
        %parallel_loop3A_148 = vector.broadcast %parallel_loop3A_147 : f32 to vector<16xf32>
        %parallel_loop3A_149 = arith.cmpf ogt, %parallel_loop3A_146, %parallel_loop3A_148 : vector<16xf32>
        %parallel_loop3A_150 = arith.constant 1.000000e+00 : f32
        %parallel_loop3A_151 = arith.constant 0.000000e+00 : f32
        %parallel_loop3A_152 = vector.broadcast %parallel_loop3A_150 : f32 to vector<16xf32>
        %parallel_loop3A_153 = vector.broadcast %parallel_loop3A_151 : f32 to vector<16xf32>
        %parallel_loop3A_154 = arith.select %parallel_loop3A_149, %parallel_loop3A_152, %parallel_loop3A_153 : vector<16xi1>, vector<16xf32>
        %parallel_loop3A_155 = arith.index_cast %parallel_loop3A_143 : i32 to index
        %parallel_loop3A_156 = tpu.vector_load %arg7[%parallel_loop3A_155] {strides = array<i32>} : memref<16384xf32, #tpu.memory_space<vmem>>, vector<16xf32>,
        %parallel_loop3A_157 = vector.shape_cast %parallel_loop3A_156 : vector<16xf32> to vector<16xf32>
        %parallel_loop3A_158 = vector.shape_cast %parallel_loop3A_154 : vector<16xf32> to vector<16xf32>
        tpu.vector_store %arg7[%parallel_loop3A_155], %parallel_loop3A_158 {strides = array<i32>} : memref<16384xf32, #tpu.memory_space<vmem>>, vector<16xf32>,
      } {sc.loop_unroll_factor = 8 : i64, sc.parallel_access}
      %mul3A_131 = arith.constant 16384 : i32
      %mul3A_132 = arith.muli %add3A_115, %mul3A_131 : i32
      %add3A_133 = arith.addi %mul3A_2, %mul3A_132 : i32
      %dma_start3A_134 = tpu.memref_slice %arg3[%add3A_133] : memref<16777216xf32, #tpu.memory_space<hbm>> -> memref<16384xf32, #tpu.memory_space<hbm>>
      %dma_start3A_135 = tpu.memref_slice %arg3[%add3A_133] : memref<16777216xf32, #tpu.memory_space<hbm>> -> memref<16384xf32, #tpu.memory_space<hbm>>
      tpu.enqueue_dma source(%arg7 : memref<16384xf32, #tpu.memory_space<vmem>>) target(%dma_start3A_135 : memref<16384xf32, #tpu.memory_space<hbm>>) target_semaphore(%arg11 : memref<!tpu.dma_semaphore, #tpu.memory_space<semaphore_mem>>)
      %add3A_136 = arith.constant 2 : i32
      %add3A_137 = arith.addi %add3A_115, %add3A_136 : i32
      %mul3A_138 = arith.constant 16384 : i32
      %mul3A_139 = arith.muli %add3A_137, %mul3A_138 : i32
      %add3A_140 = arith.addi %mul3A_2, %mul3A_139 : i32
      %dma_start3A_141 = tpu.memref_slice %arg2[%add3A_140] : memref<16777216xf32, #tpu.memory_space<hbm>> -> memref<16384xf32, #tpu.memory_space<hbm>>
      %dma_start3A_142 = tpu.memref_slice %arg2[%add3A_140] : memref<16777216xf32, #tpu.memory_space<hbm>> -> memref<16384xf32, #tpu.memory_space<hbm>>
      tpu.enqueue_dma source(%dma_start3A_142 : memref<16384xf32, #tpu.memory_space<hbm>>) target(%arg5 : memref<16384xf32, #tpu.memory_space<vmem>>) target_semaphore(%arg9 : memref<!tpu.dma_semaphore, #tpu.memory_space<semaphore_mem>>)
    }
    %scan3A_42 = arith.constant 14 : i32
    %add3A_43 = arith.constant 491520 : i32
    %add3A_44 = arith.addi %mul3A_2, %add3A_43 : i32
    %dma_wait3A_45 = tpu.memref_slice %arg2[%add3A_44] : memref<16777216xf32, #tpu.memory_space<hbm>> -> memref<16384xf32, #tpu.memory_space<hbm>>
    %dma_wait3A_46 = tpu.memref_slice %arg2[%add3A_44] : memref<16777216xf32, #tpu.memory_space<hbm>> -> memref<16384xf32, #tpu.memory_space<hbm>>
    tpu.wait_dma2 semaphore(%arg8 : memref<!tpu.dma_semaphore, #tpu.memory_space<semaphore_mem>>) src(%dma_wait3A_46 : memref<16384xf32, #tpu.memory_space<hbm>>) dst(%arg4 : memref<16384xf32, #tpu.memory_space<vmem>>)
    %add3A_47 = arith.constant 458752 : i32
    %add3A_48 = arith.addi %mul3A_2, %add3A_47 : i32
    %dma_wait3A_49 = tpu.memref_slice %arg3[%add3A_48] : memref<16777216xf32, #tpu.memory_space<hbm>> -> memref<16384xf32, #tpu.memory_space<hbm>>
    %dma_wait3A_50 = tpu.memref_slice %arg3[%add3A_48] : memref<16777216xf32, #tpu.memory_space<hbm>> -> memref<16384xf32, #tpu.memory_space<hbm>>
    tpu.wait_dma2 semaphore(%arg10 : memref<!tpu.dma_semaphore, #tpu.memory_space<semaphore_mem>>) src(%arg6 : memref<16384xf32, #tpu.memory_space<vmem>>) dst(%dma_wait3A_50 : memref<16384xf32, #tpu.memory_space<hbm>>)
    %parallel_loop3A_51 = arith.constant 0 : i32
    %parallel_loop3A_52 = arith.constant 16384 : i32
    %parallel_loop3A_53 = arith.constant 16 : i32
    scf.for %parallel_loop3A_81 = %parallel_loop3A_51 to %parallel_loop3A_52 step %parallel_loop3A_53  : i32 {
      %parallel_loop3A_82 = arith.index_cast %parallel_loop3A_81 : i32 to index
      %parallel_loop3A_83 = tpu.vector_load %arg4[%parallel_loop3A_82] {strides = array<i32>} : memref<16384xf32, #tpu.memory_space<vmem>>, vector<16xf32>,
      %parallel_loop3A_84 = vector.shape_cast %parallel_loop3A_83 : vector<16xf32> to vector<16xf32>
      %parallel_loop3A_85 = arith.constant 1.000000e+00 : f32
      %parallel_loop3A_86 = vector.broadcast %parallel_loop3A_85 : f32 to vector<16xf32>
      %parallel_loop3A_87 = arith.cmpf ogt, %parallel_loop3A_84, %parallel_loop3A_86 : vector<16xf32>
      %parallel_loop3A_88 = arith.constant 1.000000e+00 : f32
      %parallel_loop3A_89 = arith.constant 0.000000e+00 : f32
      %parallel_loop3A_90 = vector.broadcast %parallel_loop3A_88 : f32 to vector<16xf32>
      %parallel_loop3A_91 = vector.broadcast %parallel_loop3A_89 : f32 to vector<16xf32>
      %parallel_loop3A_92 = arith.select %parallel_loop3A_87, %parallel_loop3A_90, %parallel_loop3A_91 : vector<16xi1>, vector<16xf32>
      %parallel_loop3A_93 = arith.index_cast %parallel_loop3A_81 : i32 to index
      %parallel_loop3A_94 = tpu.vector_load %arg6[%parallel_loop3A_93] {strides = array<i32>} : memref<16384xf32, #tpu.memory_space<vmem>>, vector<16xf32>,
      %parallel_loop3A_95 = vector.shape_cast %parallel_loop3A_94 : vector<16xf32> to vector<16xf32>
      %parallel_loop3A_96 = vector.shape_cast %parallel_loop3A_92 : vector<16xf32> to vector<16xf32>
      tpu.vector_store %arg6[%parallel_loop3A_93], %parallel_loop3A_96 {strides = array<i32>} : memref<16384xf32, #tpu.memory_space<vmem>>, vector<16xf32>,
    } {sc.loop_unroll_factor = 8 : i64, sc.parallel_access}
    %add3A_54 = arith.constant 491520 : i32
    %add3A_55 = arith.addi %mul3A_2, %add3A_54 : i32
    %dma_start3A_56 = tpu.memref_slice %arg3[%add3A_55] : memref<16777216xf32, #tpu.memory_space<hbm>> -> memref<16384xf32, #tpu.memory_space<hbm>>
    %dma_start3A_57 = tpu.memref_slice %arg3[%add3A_55] : memref<16777216xf32, #tpu.memory_space<hbm>> -> memref<16384xf32, #tpu.memory_space<hbm>>
    tpu.enqueue_dma source(%arg6 : memref<16384xf32, #tpu.memory_space<vmem>>) target(%dma_start3A_57 : memref<16384xf32, #tpu.memory_space<hbm>>) target_semaphore(%arg10 : memref<!tpu.dma_semaphore, #tpu.memory_space<semaphore_mem>>)
    %add3A_58 = arith.constant 507904 : i32
    %add3A_59 = arith.addi %mul3A_2, %add3A_58 : i32
    %dma_wait3A_60 = tpu.memref_slice %arg2[%add3A_59] : memref<16777216xf32, #tpu.memory_space<hbm>> -> memref<16384xf32, #tpu.memory_space<hbm>>
    %dma_wait3A_61 = tpu.memref_slice %arg2[%add3A_59] : memref<16777216xf32, #tpu.memory_space<hbm>> -> memref<16384xf32, #tpu.memory_space<hbm>>
    tpu.wait_dma2 semaphore(%arg9 : memref<!tpu.dma_semaphore, #tpu.memory_space<semaphore_mem>>) src(%dma_wait3A_61 : memref<16384xf32, #tpu.memory_space<hbm>>) dst(%arg5 : memref<16384xf32, #tpu.memory_space<vmem>>)
    %add3A_62 = arith.constant 475136 : i32
    %add3A_63 = arith.addi %mul3A_2, %add3A_62 : i32
    %dma_wait3A_64 = tpu.memref_slice %arg3[%add3A_63] : memref<16777216xf32, #tpu.memory_space<hbm>> -> memref<16384xf32, #tpu.memory_space<hbm>>
    %dma_wait3A_65 = tpu.memref_slice %arg3[%add3A_63] : memref<16777216xf32, #tpu.memory_space<hbm>> -> memref<16384xf32, #tpu.memory_space<hbm>>
    tpu.wait_dma2 semaphore(%arg11 : memref<!tpu.dma_semaphore, #tpu.memory_space<semaphore_mem>>) src(%arg7 : memref<16384xf32, #tpu.memory_space<vmem>>) dst(%dma_wait3A_65 : memref<16384xf32, #tpu.memory_space<hbm>>)
    %parallel_loop3A_66 = arith.constant 0 : i32
    %parallel_loop3A_67 = arith.constant 16384 : i32
    %parallel_loop3A_68 = arith.constant 16 : i32
    scf.for %parallel_loop3A_81 = %parallel_loop3A_66 to %parallel_loop3A_67 step %parallel_loop3A_68  : i32 {
      %parallel_loop3A_82 = arith.index_cast %parallel_loop3A_81 : i32 to index
      %parallel_loop3A_83 = tpu.vector_load %arg5[%parallel_loop3A_82] {strides = array<i32>} : memref<16384xf32, #tpu.memory_space<vmem>>, vector<16xf32>,
      %parallel_loop3A_84 = vector.shape_cast %parallel_loop3A_83 : vector<16xf32> to vector<16xf32>
      %parallel_loop3A_85 = arith.constant 1.000000e+00 : f32
      %parallel_loop3A_86 = vector.broadcast %parallel_loop3A_85 : f32 to vector<16xf32>
      %parallel_loop3A_87 = arith.cmpf ogt, %parallel_loop3A_84, %parallel_loop3A_86 : vector<16xf32>
      %parallel_loop3A_88 = arith.constant 1.000000e+00 : f32
      %parallel_loop3A_89 = arith.constant 0.000000e+00 : f32
      %parallel_loop3A_90 = vector.broadcast %parallel_loop3A_88 : f32 to vector<16xf32>
      %parallel_loop3A_91 = vector.broadcast %parallel_loop3A_89 : f32 to vector<16xf32>
      %parallel_loop3A_92 = arith.select %parallel_loop3A_87, %parallel_loop3A_90, %parallel_loop3A_91 : vector<16xi1>, vector<16xf32>
      %parallel_loop3A_93 = arith.index_cast %parallel_loop3A_81 : i32 to index
      %parallel_loop3A_94 = tpu.vector_load %arg7[%parallel_loop3A_93] {strides = array<i32>} : memref<16384xf32, #tpu.memory_space<vmem>>, vector<16xf32>,
      %parallel_loop3A_95 = vector.shape_cast %parallel_loop3A_94 : vector<16xf32> to vector<16xf32>
      %parallel_loop3A_96 = vector.shape_cast %parallel_loop3A_92 : vector<16xf32> to vector<16xf32>
      tpu.vector_store %arg7[%parallel_loop3A_93], %parallel_loop3A_96 {strides = array<i32>} : memref<16384xf32, #tpu.memory_space<vmem>>, vector<16xf32>,
    } {sc.loop_unroll_factor = 8 : i64, sc.parallel_access}
    %add3A_69 = arith.constant 507904 : i32
    %add3A_70 = arith.addi %mul3A_2, %add3A_69 : i32
    %dma_start3A_71 = tpu.memref_slice %arg3[%add3A_70] : memref<16777216xf32, #tpu.memory_space<hbm>> -> memref<16384xf32, #tpu.memory_space<hbm>>
    %dma_start3A_72 = tpu.memref_slice %arg3[%add3A_70] : memref<16777216xf32, #tpu.memory_space<hbm>> -> memref<16384xf32, #tpu.memory_space<hbm>>
    tpu.enqueue_dma source(%arg7 : memref<16384xf32, #tpu.memory_space<vmem>>) target(%dma_start3A_72 : memref<16384xf32, #tpu.memory_space<hbm>>) target_semaphore(%arg11 : memref<!tpu.dma_semaphore, #tpu.memory_space<semaphore_mem>>)
    %add3A_73 = arith.constant 491520 : i32
    %add3A_74 = arith.addi %mul3A_2, %add3A_73 : i32
    %dma_wait3A_75 = tpu.memref_slice %arg3[%add3A_74] : memref<16777216xf32, #tpu.memory_space<hbm>> -> memref<16384xf32, #tpu.memory_space<hbm>>
    %dma_wait3A_76 = tpu.memref_slice %arg3[%add3A_74] : memref<16777216xf32, #tpu.memory_space<hbm>> -> memref<16384xf32, #tpu.memory_space<hbm>>
    tpu.wait_dma2 semaphore(%arg10 : memref<!tpu.dma_semaphore, #tpu.memory_space<semaphore_mem>>) src(%arg6 : memref<16384xf32, #tpu.memory_space<vmem>>) dst(%dma_wait3A_76 : memref<16384xf32, #tpu.memory_space<hbm>>)
    %add3A_77 = arith.constant 507904 : i32
    %add3A_78 = arith.addi %mul3A_2, %add3A_77 : i32
    %dma_wait3A_79 = tpu.memref_slice %arg3[%add3A_78] : memref<16777216xf32, #tpu.memory_space<hbm>> -> memref<16384xf32, #tpu.memory_space<hbm>>
    %dma_wait3A_80 = tpu.memref_slice %arg3[%add3A_78] : memref<16777216xf32, #tpu.memory_space<hbm>> -> memref<16384xf32, #tpu.memory_space<hbm>>
    tpu.wait_dma2 semaphore(%arg11 : memref<!tpu.dma_semaphore, #tpu.memory_space<semaphore_mem>>) src(%arg7 : memref<16384xf32, #tpu.memory_space<vmem>>) dst(%dma_wait3A_80 : memref<16384xf32, #tpu.memory_space<hbm>>)
    return
  }
}

</mosaic_0001>

<sc_bundles>
// kernel: kernel.3.cloned.1.call-start
scs
__scs_entry_jumppad:
0x0: {  	(pc) =	sbr.rel $0x88, $3  }
0x1: {  	(tag) =	ssettag $0x0;
	lr =	simm.s32 $0x1  }
0x2: {  	[smem:$0x3FA0] =	sst lr;
	_ =	strace $0xD0000000  }
0x3: {  	_ = 	snop  }
0x4: {  	_ = 	snop  }
0x5: {  	_ = 	snop  }
0x6: {  	_ = 	snop  }
0x7: {  	_ = 	snop  }
__scs_overlays_trampoline_lowered:
0x8: {  	[smem:$0x3FAF] =	sst s0  }
0x9: {  	[smem:$0x3FB0] =	sst s1  }
0xa: {  	[smem:$0x3FB1] =	sst s2  }
0xb: {  	[smem:$0x3FB2] =	sst s3  }
0xc: {  	[smem:$0x3FB3] =	sst s4  }
0xd: {  	[smem:$0x3FB4] =	sst s5  }
0xe: {  	[smem:$0x3FB5] =	sst s6  }
0xf: {  	[smem:$0x3FB6] =	sst s7  }
0x10: {  	[smem:$0x3FB7] =	sst s8  }
0x11: {  	[smem:$0x3FB8] =	sst s9;
	s0 =	simm.s32 @!p0 $0x0  }
0x12: {  	s1 =	sld [smem:$0x3F9E];
	s0 =	simm.s32 @p0 $0x1  }
0x13: {  	[smem:$0x3FB9] =	sst s0;
	s0 =	simm.s32 @!p1 $0x0  }
0x14: {  	s2 =	sld [smem:$0x3F9D];
	s0 =	simm.s32 @p1 $0x1  }
0x15: {  	[smem:$0x3FBA] =	sst s0;
	s0 =	simm.s32 @!p2 $0x0  }
0x16: {  	s3 =	sld [smem:$0x3FDB];
	s0 =	simm.s32 @p2 $0x1  }
0x17: {  	s4 =	simm.s32 $0x1BF5;
	[smem:$0x3FBC] =	sst s0  }
0x18: {  	s0 =	sld [smem:$0x3F9F];
	_ =	swait.ge [sflag:s4], $0x0  }
0x19: {  	s7 =	sld [smem:$0x3FA0]  }
0x1a: {  	s8 =	sadd.s32 $0xFFFFE003, lr  }
0x1b: {  	s9 =	sadd.s32 $0xFFFFFEF7, lr;
	s5 =	simm.s32 $0xFFFFFFFF;
	p2 =	slt.u32 s8, $0xFFFFF086  }
0x1c: {  	p1 =	slt.u32 s9, $0xF7A;
	s5 =	simm.s32 @!p2 $0x0  }
0x1d: {  	s5 =	simm.s32 @p1 $0x1;
	p0 =	seq.s32 s7, s2  }
0x1e: {  	s7 =	smul.u32 @!p0 $0xF7A, s2;
	p2 =	seq.s32 @!p0 s5, $0x0  }
0x1f: {  	s9 =	smul.u32 $0xF7A, s1;
	s8 =	simm.s32 @!p0 $0x1BF5;
	p2 =	por !p2, p0  }
0x20: {  	[sflag:s8] =	ssyncset.s32 @!p0 $0xFFFFF086;
	s6 =	sadd.s32 @!p0 s3, s7;
	s7 =	simm.s32 @!p0 $0x108  }
0x21: {  	s3 =	sadd.s32 s3, s9;
	s6 =	sadd.s32 @!p0 $0x88, s6;
	s7 =	simm.s32 @p2 $0x1082  }
0x22: {  	[simem:s7], [sflag:s8] =	dma.local @!p0 [hbm:s6], $0xF7A  }
0x23: {  	s9 =	sor.u32 $0xD0000000, s2;
	s6 =	simm.s32 $0x108;
	_ =	swait.ge @!p0 [sflag:s8], $0x0  }
0x24: {  	s3 =	sadd.s32 $0x88, s3;
	s6 =	simm.s32 @!p1 $0x1082;
	[sflag:s4] =	ssyncset.s32 $0xFFFFF086  }
0x25: {  	[simem:s6], [sflag:s4] =	dma.local [hbm:s3], $0xF7A  }
0x26: {  	[smem:$0x3FA0] =	sst s1;
	(tag) =	ssettag s2;
	_ =	strace s9  }
0x27: {  	s1 =	sld [smem:$0x3FB0]  }
0x28: {  	s2 =	sld [smem:$0x3FB1]  }
0x29: {  	s4 =	sld [smem:$0x3FB3]  }
0x2a: {  	p0 =	seq.s32 s5, $0x0;
	s5 =	sld [smem:$0x3FB4]  }
0x2b: {  	s6 =	sld [smem:$0x3FB5]  }
0x2c: {  	s7 =	sld [smem:$0x3FB6]  }
0x2d: {  	s3 =	simm.s32 $0x108;
	s8 =	sld [smem:$0x3FB7]  }
0x2e: {  	s3 =	simm.s32 @!p0 $0x1082;
	s9 =	sld [smem:$0x3FB8]  }
0x2f: {  	lr =	sadd.s32 s0, s3;
	s0 =	sld [smem:$0x3FAF]  }
0x30: {  	s3 =	sld [smem:$0x3FB2]  }
0x31: {  	[smem:$0x3FBB] =	sst s10  }
0x32: {  	s10 =	sld [smem:$0x3FB9];
	_ =	sdelay $0x3  }
0x33: {  	p0 =	seq.s32 s10, $0x1;
	s10 =	sld [smem:$0x3FBB];
	_ =	sdelay $0x3  }
0x34: {  	[smem:$0x3FBB] =	sst s10  }
0x35: {  	s10 =	sld [smem:$0x3FBA];
	_ =	sdelay $0x3  }
0x36: {  	p1 =	seq.s32 s10, $0x1;
	s10 =	sld [smem:$0x3FBB];
	_ =	sdelay $0x3  }
0x37: {  	[smem:$0x3FBB] =	sst s10  }
0x38: {  	s10 =	sld [smem:$0x3FBC]  }
0x39: {  	_ = 	snop;
	(pc) =	sbr.ind lr, $3  }
0x3a: {  	_ = 	snop  }
0x3b: {  	_ = 	snop  }
0x3c: {  	p2 =	seq.s32 s10, $0x1;
	s10 =	sld [smem:$0x3FBB]  }
0x3d: {  	_ =	shalt  }
0x3e: {  	_ =	shalt  }
0x3f: {  	_ =	shalt  }
0x40: {  	_ =	shalt  }
0x41: {  	_ =	shalt  }
0x42: {  	_ =	shalt  }
0x43: {  	_ =	shalt  }
0x44: {  	_ =	shalt  }
0x45: {  	_ =	shalt  }
0x46: {  	_ =	shalt  }
0x47: {  	_ =	shalt  }
0x48: {  	_ =	shalt  }
0x49: {  	_ =	shalt  }
0x4a: {  	_ =	shalt  }
0x4b: {  	_ =	shalt  }
0x4c: {  	_ =	shalt  }
0x4d: {  	_ =	shalt  }
0x4e: {  	_ =	shalt  }
0x4f: {  	_ =	shalt  }
0x50: {  	_ =	shalt  }
0x51: {  	_ =	shalt  }
0x52: {  	_ =	shalt  }
0x53: {  	_ =	shalt  }
0x54: {  	_ =	shalt  }
0x55: {  	_ =	shalt  }
0x56: {  	_ =	shalt  }
0x57: {  	_ =	shalt  }
0x58: {  	_ =	shalt  }
0x59: {  	_ =	shalt  }
0x5a: {  	_ =	shalt  }
0x5b: {  	_ =	shalt  }
0x5c: {  	_ =	shalt  }
0x5d: {  	_ =	shalt  }
0x5e: {  	_ =	shalt  }
0x5f: {  	_ =	shalt  }
0x60: {  	_ =	shalt  }
0x61: {  	_ =	shalt  }
0x62: {  	_ =	shalt  }
0x63: {  	_ =	shalt  }
0x64: {  	_ =	shalt  }
0x65: {  	_ =	shalt  }
0x66: {  	_ =	shalt  }
0x67: {  	_ =	shalt  }
0x68: {  	_ =	shalt  }
0x69: {  	_ =	shalt  }
0x6a: {  	_ =	shalt  }
0x6b: {  	_ =	shalt  }
0x6c: {  	_ =	shalt  }
0x6d: {  	_ =	shalt  }
0x6e: {  	_ =	shalt  }
0x6f: {  	_ =	shalt  }
0x70: {  	_ =	shalt  }
0x71: {  	_ =	shalt  }
0x72: {  	_ =	shalt  }
0x73: {  	_ =	shalt  }
0x74: {  	_ =	shalt  }
0x75: {  	_ =	shalt  }
0x76: {  	_ =	shalt  }
0x77: {  	_ =	shalt  }
0x78: {  	_ =	shalt  }
0x79: {  	_ =	shalt  }
0x7a: {  	_ =	shalt  }
0x7b: {  	_ =	shalt  }
0x7c: {  	_ =	shalt  }
0x7d: {  	_ =	shalt  }
0x7e: {  	_ =	shalt  }
0x7f: {  	_ =	shalt  }
0x80: {  	_ =	shalt  }
0x81: {  	_ =	shalt  }
0x82: {  	_ =	shalt  }
0x83: {  	_ =	shalt  }
0x84: {  	_ =	shalt  }
0x85: {  	_ =	shalt  }
0x86: {  	_ =	shalt  }
0x87: {  	_ =	shalt  }
.Lfunc_end0:
.L_simem_size_0:
called_computation_lowered:
.L_overlay_start_0:
0x88: {  	s2 =	sld [smem:$0x3FD9]  }
0x89: {  	s3 =	sld [smem:$0x3FFE];
	_ =	sdelay $0x1  }
0x8a: {  	s1 =	srdreg.scid  }
0x8b: {  	s0 =	sand.u32 $0x1, s1  }
0x8c: {  	s18 =	sshll.u32 s0, $0xA;
	s2 =	sadd.s32 s3, s2  }
0x8d: {  	s2 =	sadd.s32 s2, s18  }
0x8e: {  	[smem:$0x3FC7] =	sst s2  }
0x8f: {  	_ = 	snop  }
0x90: {  	s2 =	sld [smem:$0x3FC9]  }
0x91: {  	s19 =	sld [smem:$0x3FD0];
	(tm) =	ssettm $0x1  }
0x92: {  	s4 =	sld [smem:$0x3FFB];
	_ =	sdelay $0x3  }
0x93: {  	_ =	strace s4  }
0x94: {  	s4 =	sld [smem:$0x3FFC];
	_ =	sdelay $0x3  }
0x95: {  	_ =	strace s4  }
0x96: {  	s4 =	sld [smem:$0x3FFD];
	_ =	sdelay $0x3  }
0x97: {  	_ =	strace s4  }
0x98: {  	_ =	strace $0x8FFFFFFF  }
0x99: {  	s20 =	sld [smem:$0x3FDB];
	_ =	sdelay $0x1  }
0x9a: {  	s5 =	simm.s32 $_scs_section_size  }
0x9b: {  	s6 =	simm.s32 $_size__tile_overlayer_lowered;
	s7 =	simm.s32 $_tile_overlayer_lowered  }
0x9c: {  	s23 =	simm.s32 $0x1BFF;
	s22 =	sshll.u32 s7, $0x1;
	s4 =	sadd.s32 s5, s20  }
0x9d: {  	s8 =	simm.s32 $0x0;
	s21 =	sshll.u32 s6, $0x1;
	s6 =	sadd.s32 s22, s4  }
0x9e: {  	[timem:s8], [sflag:s23] =	dma.local [hbm:s6], s21  }
0x9f: {  	_ =	swait.ge [sflag:s23], s21  }
0xa0: {  	s5 =	ssub.s32 $0x0, s21;
	[sflag:s23] =	ssyncset.done $0x0  }
0xa1: {  	[sflag:s23] =	ssyncadd.s32 s5;
	_ =	sdelay $0x1  }
0xa2: {  	s24 =	simm.s32 $0x1B8B  }
0xa3: {  	_ =	swait.ge [sflag:s24], $0x1  }
0xa4: {  	[sflag:s24] =	ssyncset.done $0x0  }
0xa5: {  	s25 =	simm.s32 $0x1B8E;
	[sflag:s24] =	ssyncadd.s32 $0xFFFFFFFF  }
0xa6: {  	s26 =	simm.s32 $execute0_lowered;
	[smem:$0x3FD2] =	sst s25  }
0xa7: {  	s5 =	sshll.u32 s26, $0x1;
	_ =	strace $0x80000046;
	[dreg:$0x1] =	wrdreg $0xFFFFFFFF  }
0xa8: {  	s28 =	simm.s32 $_size_execute0_lowered;
	s4 =	sadd.s32 s4, s5;
	[dreg:$0x0] =	wrdreg $0x0  }
0xa9: {  	s5 =	sshll.u32 s28, $0x1;
	[dreg:$0x2] =	wrdreg s4  }
0xaa: {  	[dreg:$0x3] =	wrdreg s5  }
0xab: {  	[dreg:$0x4] =	wrdreg $0xC0  }
0xac: {  	_ =	task [dreg:s8], $0x5FFFF  }
0xad: {  	[dreg:$0x1] =	wrdreg $0xFFFFFFFF  }
0xae: {  	[dreg:$0x0] =	wrdreg $0x60  }
0xaf: {  	[dreg:$0x2] =	wrdreg s2  }
0xb0: {  	[dreg:$0x3] =	wrdreg s19  }
0xb1: {  	[dreg:$0x4] =	wrdreg $0x9  }
0xb2: {  	_ =	task.clear_ibuf [dreg:s8], $0x5FFFF;
	_ =	strace $0x90000046  }
0xb3: {  	s29 =	simm.s32 $0x9;
	_ =	strace $0x80000048  }
0xb4: {  	_ =	swait.ge [sflag:s29], $0x1  }
0xb5: {  	[sflag:s29] =	ssyncadd.s32 $0xFFFFFFFF  }
0xb6: {  	_ =	strace $0x90000048  }
0xb7: {  	_ =	sfence  }
0xb8: {  	s30 =	sld [smem:$0x0];
	_ =	sdelay $0x2  }
0xb9: {  	s31 =	sshll.u32 s1, $0xD;
	s1 =	sshrl.u32 s1, $0x2  }
0xba: {  	s3 =	sand.u32 $0x4000, s31;
	s1 =	sadd.s32 s1, s30  }
0xbb: {  	s0 =	sor.u32 s3, s0;
	s1 =	sshll.u32 s1, $0x11  }
0xbc: {  	s0 =	sor.u32 s1, s0  }
0xbd: {  	s0 =	sadd.s32 $0x8F2B, s0  }
0xbe: {  	[sflag:s0] =	ssyncadd.remote.s32 $0x1  }
0xbf: {  	_ =	sfence.sel $0xFFFF  }
0xc0: {  	[dreg:$0x0] =	wrdreg $0xFFFFFFFF;
	(pc) =	sbr.abs _section_cstart, $3  }
0xc1: {  	[dreg:$0x1] =	wrdreg $0xFFFFFFFF  }
0xc2: {  	_ =	task.clear_ibuf [dreg:s8], $0x2FFFF;
	_ =	strace $0x9FFFFFFF  }
0xc3: {  	(tm) =	ssettm $0x7FFFFFFF  }
tec
execute0_lowered:
.L_overlay_start_1:
0x0: {  	(tag) =	ssettag $0x1  }
0x1: {  	s2 =	rddreg [dreg:$0x0]  }
0x2: {  	s3 =	rddreg [dreg:$0x1];
	s4 =	srdreg.scid  }
0x3: {  	s0 =	rddreg [dreg:$0x2];
	s1 =	stileid.u32;
	s17 =	simm.s32 $0x4000  }
0x4: {  	s18 =	simm.s32 $0x1;
	s19 =	simm.s32 $0x8000;
	s20 =	simm.s32 $0x2  }
0x5: {  	s21 =	simm.s32 $0xC000;
	s22 =	simm.s32 $0x3;
	s23 =	simm.s32 $0x4  }
0x6: {  	s24 =	simm.s32 $0x0;
	s5 =	sand.u32 $0x1, s4;
	s4 =	simm.s32 $0x0  }
0x7: {  	s6 =	sshll.u32 s1, $0x14;
	s7 =	sshll.u32 s5, $0x13;
	s8 =	ssub.s32 $0x2, s5  }
0x8: {  	[smem:$0x7FF] =	sst s4;
	s5 =	sor.u32 s7, s6;
	s31 =	sshrl.u32 s8, $0x1  }
0x9: {  	_ =	strace $0x80000047;
	s9 =	sshrl.u32 s5, $0x3;
	s16 =	ssub.s32 s8, s31  }
0xa: {  	s12 =	sor.u32 $0x8000, s5;
	s13 =	sor.u32 $0xC000, s5;
	s6 =	sadd.s32 s2, s9  }
0xb: {  	s10 =	sor.u32 $0x800, s9;
	s8 =	sadd.s32 s3, s9;
	s16 =	smax.u32 s16, $0x1  }
0xc: {  	s7 =	sadd.s32 s2, s10;
	s9 =	sadd.s32 $0x1000, s6;
	s10 =	sadd.s32 s3, s10  }
0xd: {  	v0 =	vimm.f32 $0.0e+00;
	s11 =	sadd.s32 $0x1800, s6;
	s14 =	sadd.s32 $0xF000, s8;
	s15 =	sadd.s32 $0xF800, s8  }
.LBB2_1:
0xe: {  	[tilespmem:s4], [sflag:$0x1] =	stream.linear.gather [hbm4b:s6+s4], $0x4000, $0x38;
	[tilespmem:$0x10000] =	vst v63  }
0xf: {  	_ = 	snop  }
0x10: {  	[tilespmem:s17], [sflag:$0x2] =	stream.linear.gather [hbm4b:s7+s4], $0x4000, $0x38;
	[tilespmem:$0x10000] =	vst v63  }
0x11: {  	_ =	swait.ge [sflag:s18], $0x4000  }
0x12: {  	[sflag:s18] =	ssyncset.done $0x0  }
0x13: {  	s28 =	simm.s32 $0x40;
	[sflag:s18] =	ssyncadd.s32 $0xFFFFC000  }
0x14: {  	v3 =	vld [tilespmem:s28+$0x30]  }
0x15: {  	v5 =	vld [tilespmem:s28+$0xFFFFFFD0]  }
0x16: {  	v7 =	vld [tilespmem:s28+$0xFFFFFFE0]  }
0x17: {  	v4 =	vld [tilespmem:s28+$0xFFFFFFF0]  }
0x18: {  	v2 =	vld [tilespmem:s28+$0x0]  }
0x19: {  	v1 =	vld [tilespmem:s28+$0x10];
	vm0 =	vgt.f32 v3, $1.000000000e+00  }
0x1a: {  	s25 =	simm.s32 $0x8040;
	vm1 =	vgt.f32 v5, $1.000000000e+00;
	v3 =	vld [tilespmem:s28+$0x20];
	v8 =	vsel vm0, $0x3F800000, v0  }
0x1b: {  	s26 =	simm.s32 $0x0;
	v5 =	vld [tilespmem:s28+$0xFFFFFFC0];
	s28 =	simm.s32 $0xC0;
	v6 =	vsel vm1, $0x3F800000, v0;
	vm0 =	vgt.f32 v7, $1.000000000e+00;
	[tilespmem:s25+$0x30] =	vst v8  }
.LBB2_2:
0x1c: {  	v7 =	vld [tilespmem:s28+$0x30];
	s26 =	sadd.s32 $0x80, s26;
	[tilespmem:s25+$0xFFFFFFD0] =	vst v6;
	v6 =	vsel vm0, $0x3F800000, v0;
	vm0 =	vgt.f32 v4, $1.000000000e+00  }
0x1d: {  	v8 =	vld [tilespmem:s28+$0xFFFFFFD0];
	p0 =	slt.u32 s26, $0x3F80;
	[tilespmem:s25+$0xFFFFFFE0] =	vst v6;
	v4 =	vsel vm0, $0x3F800000, v0;
	vm0 =	vgt.f32 v2, $1.000000000e+00  }
0x1e: {  	v9 =	vld [tilespmem:s28+$0xFFFFFFE0];
	[tilespmem:s25+$0xFFFFFFF0] =	vst v4;
	v2 =	vsel vm0, $0x3F800000, v0;
	vm0 =	vgt.f32 v1, $1.000000000e+00  }
.Ltmp0:
0x1f: {  	v4 =	vld [tilespmem:s28+$0xFFFFFFF0];
	[tilespmem:s25+$0x0] =	vst v2;
	v1 =	vsel vm0, $0x3F800000, v0;
	vm0 =	vgt.f32 v3, $1.000000000e+00;
	(pc) =	sbr.rel @p0 .LBB2_2-.Ltmp0, $4  }
0x20: {  	v2 =	vld [tilespmem:s28+$0x0];
	vm1 =	vgt.f32 v5, $1.000000000e+00;
	[tilespmem:s25+$0x10] =	vst v1;
	v3 =	vsel vm0, $0x3F800000, v0  }
0x21: {  	v1 =	vld [tilespmem:s28+$0x10];
	vm0 =	vgt.f32 v7, $1.000000000e+00;
	v5 =	vsel vm1, $0x3F800000, v0;
	[tilespmem:s25+$0x20] =	vst v3  }
0x22: {  	vm1 =	vgt.f32 v8, $1.000000000e+00;
	v3 =	vld [tilespmem:s28+$0x20];
	v7 =	vsel vm0, $0x3F800000, v0;
	[tilespmem:s25+$0xFFFFFFC0] =	vst v5;
	s25 =	sadd.s32 $0x80, s25  }
0x23: {  	v5 =	vld [tilespmem:s28+$0xFFFFFFC0];
	v6 =	vsel vm1, $0x3F800000, v0;
	vm0 =	vgt.f32 v9, $1.000000000e+00;
	[tilespmem:s25+$0x30] =	vst v7;
	s28 =	sadd.s32 $0x80, s28  }
0x24: {  	[tilespmem:s25+$0xFFFFFFD0] =	vst v6;
	v6 =	vsel vm0, $0x3F800000, v0;
	vm0 =	vgt.f32 v4, $1.000000000e+00  }
0x25: {  	[tilespmem:s25+$0xFFFFFFE0] =	vst v6;
	v4 =	vsel vm0, $0x3F800000, v0;
	vm0 =	vgt.f32 v2, $1.000000000e+00  }
0x26: {  	[tilespmem:s25+$0xFFFFFFF0] =	vst v4;
	v2 =	vsel vm0, $0x3F800000, v0;
	vm0 =	vgt.f32 v1, $1.000000000e+00  }
0x27: {  	[tilespmem:s25+$0x0] =	vst v2;
	v1 =	vsel vm0, $0x3F800000, v0;
	vm0 =	vgt.f32 v3, $1.000000000e+00  }
0x28: {  	vm1 =	vgt.f32 v5, $1.000000000e+00;
	[tilespmem:s25+$0x10] =	vst v1;
	v1 =	vsel vm0, $0x3F800000, v0  }
0x29: {  	v2 =	vsel vm1, $0x3F800000, v0;
	[tilespmem:s25+$0x20] =	vst v1  }
0x2a: {  	[tilespmem:s25+$0xFFFFFFC0] =	vst v2  }
0x2b: {  	[hbm4b:s8+s4] =	stream.linear.scatter [tilespmem:s19], [sflag:$0x3], $0x4000, $0x38;
	[tilespmem:$0x10000] =	vst v63  }
0x2c: {  	_ = 	snop  }
0x2d: {  	[tilespmem:s4], [sflag:$0x1] =	stream.linear.gather [hbm4b:s9+s4], $0x4000, $0x38;
	[tilespmem:$0x10000] =	vst v63  }
0x2e: {  	_ =	swait.ge [sflag:s20], $0x4000  }
0x2f: {  	[sflag:s20] =	ssyncset.done $0x0  }
0x30: {  	s28 =	simm.s32 $0x4040;
	[sflag:s20] =	ssyncadd.s32 $0xFFFFC000  }
0x31: {  	v3 =	vld [tilespmem:s28+$0x30]  }
0x32: {  	v5 =	vld [tilespmem:s28+$0xFFFFFFD0]  }
0x33: {  	v7 =	vld [tilespmem:s28+$0xFFFFFFE0]  }
0x34: {  	v4 =	vld [tilespmem:s28+$0xFFFFFFF0]  }
0x35: {  	v2 =	vld [tilespmem:s28+$0x0]  }
0x36: {  	v1 =	vld [tilespmem:s28+$0x10];
	vm0 =	vgt.f32 v3, $1.000000000e+00  }
0x37: {  	s25 =	simm.s32 $0xC040;
	vm1 =	vgt.f32 v5, $1.000000000e+00;
	v3 =	vld [tilespmem:s28+$0x20];
	v8 =	vsel vm0, $0x3F800000, v0  }
0x38: {  	s26 =	simm.s32 $0x0;
	v5 =	vld [tilespmem:s28+$0xFFFFFFC0];
	s28 =	simm.s32 $0x40C0;
	v6 =	vsel vm1, $0x3F800000, v0;
	vm0 =	vgt.f32 v7, $1.000000000e+00;
	[tilespmem:s25+$0x30] =	vst v8  }
.LBB2_4:
0x39: {  	v7 =	vld [tilespmem:s28+$0x30];
	s26 =	sadd.s32 $0x80, s26;
	[tilespmem:s25+$0xFFFFFFD0] =	vst v6;
	v6 =	vsel vm0, $0x3F800000, v0;
	vm0 =	vgt.f32 v4, $1.000000000e+00  }
0x3a: {  	v8 =	vld [tilespmem:s28+$0xFFFFFFD0];
	p0 =	slt.u32 s26, $0x3F80;
	[tilespmem:s25+$0xFFFFFFE0] =	vst v6;
	v4 =	vsel vm0, $0x3F800000, v0;
	vm0 =	vgt.f32 v2, $1.000000000e+00  }
0x3b: {  	v9 =	vld [tilespmem:s28+$0xFFFFFFE0];
	[tilespmem:s25+$0xFFFFFFF0] =	vst v4;
	v2 =	vsel vm0, $0x3F800000, v0;
	vm0 =	vgt.f32 v1, $1.000000000e+00  }
.Ltmp1:
0x3c: {  	v4 =	vld [tilespmem:s28+$0xFFFFFFF0];
	[tilespmem:s25+$0x0] =	vst v2;
	v1 =	vsel vm0, $0x3F800000, v0;
	vm0 =	vgt.f32 v3, $1.000000000e+00;
	(pc) =	sbr.rel @p0 .LBB2_4-.Ltmp1, $4  }
0x3d: {  	v2 =	vld [tilespmem:s28+$0x0];
	vm1 =	vgt.f32 v5, $1.000000000e+00;
	[tilespmem:s25+$0x10] =	vst v1;
	v3 =	vsel vm0, $0x3F800000, v0  }
0x3e: {  	v1 =	vld [tilespmem:s28+$0x10];
	vm0 =	vgt.f32 v7, $1.000000000e+00;
	v5 =	vsel vm1, $0x3F800000, v0;
	[tilespmem:s25+$0x20] =	vst v3  }
0x3f: {  	vm1 =	vgt.f32 v8, $1.000000000e+00;
	v3 =	vld [tilespmem:s28+$0x20];
	v7 =	vsel vm0, $0x3F800000, v0;
	[tilespmem:s25+$0xFFFFFFC0] =	vst v5;
	s25 =	sadd.s32 $0x80, s25  }
0x40: {  	v5 =	vld [tilespmem:s28+$0xFFFFFFC0];
	v6 =	vsel vm1, $0x3F800000, v0;
	vm0 =	vgt.f32 v9, $1.000000000e+00;
	[tilespmem:s25+$0x30] =	vst v7;
	s28 =	sadd.s32 $0x80, s28  }
0x41: {  	[tilespmem:s25+$0xFFFFFFD0] =	vst v6;
	v63 =	vsel vm0, $0x3F800000, v0;
	vm12 =	vgt.f32 v4, $1.000000000e+00  }
0x42: {  	[tilespmem:s25+$0xFFFFFFE0] =	vst v63;
	v4 =	vsel vm12, $0x3F800000, v0;
	vm13 =	vgt.f32 v2, $1.000000000e+00  }
0x43: {  	[tilespmem:s25+$0xFFFFFFF0] =	vst v4;
	v2 =	vsel vm13, $0x3F800000, v0;
	vm14 =	vgt.f32 v1, $1.000000000e+00  }
0x44: {  	[tilespmem:s25+$0x0] =	vst v2;
	v1 =	vsel vm14, $0x3F800000, v0;
	vm15 =	vgt.f32 v3, $1.000000000e+00  }
0x45: {  	vm1 =	vgt.f32 v5, $1.000000000e+00;
	[tilespmem:s25+$0x10] =	vst v1;
	v1 =	vsel vm15, $0x3F800000, v0  }
0x46: {  	v2 =	vsel vm1, $0x3F800000, v0;
	[tilespmem:s25+$0x20] =	vst v1  }
0x47: {  	[tilespmem:s25+$0xFFFFFFC0] =	vst v2  }
0x48: {  	[hbm4b:s10+s4] =	stream.linear.scatter [tilespmem:s21], [sflag:$0x4], $0x4000, $0x38;
	[tilespmem:$0x10000] =	vst v63  }
0x49: {  	s25 =	simm.s32 $0x1  }
0x4a: {  	[tilespmem:s17], [sflag:$0x2] =	stream.linear.gather [hbm4b:s11+s4], $0x4000, $0x38;
	[tilespmem:$0x10000] =	vst v63  }
.LBB2_6:
0x4b: {  	_ =	swait.ge [sflag:s18], $0x4000  }
0x4c: {  	[sflag:s18] =	ssyncset.done $0x0  }
0x4d: {  	[sflag:s18] =	ssyncadd.s32 $0xFFFFC000  }
0x4e: {  	_ =	swait.ge [sflag:s22], $0x4000  }
0x4f: {  	[sflag:s22] =	ssyncset.done $0x0  }
0x50: {  	s28 =	simm.s32 $0x40;
	[sflag:s22] =	ssyncadd.s32 $0xFFFFC000  }
0x51: {  	v3 =	vld [tilespmem:s28+$0x30]  }
0x52: {  	v5 =	vld [tilespmem:s28+$0xFFFFFFD0]  }
0x53: {  	v7 =	vld [tilespmem:s28+$0xFFFFFFE0]  }
0x54: {  	v4 =	vld [tilespmem:s28+$0xFFFFFFF0]  }
0x55: {  	v2 =	vld [tilespmem:s28+$0x0]  }
0x56: {  	v1 =	vld [tilespmem:s28+$0x10];
	vm0 =	vgt.f32 v3, $1.000000000e+00  }
0x57: {  	s29 =	simm.s32 $0x8040;
	vm1 =	vgt.f32 v5, $1.000000000e+00;
	v3 =	vld [tilespmem:s28+$0x20];
	v8 =	vsel vm0, $0x3F800000, v0  }
0x58: {  	s26 =	simm.s32 $0x0;
	v5 =	vld [tilespmem:s28+$0xFFFFFFC0];
	s28 =	simm.s32 $0xC0;
	v6 =	vsel vm1, $0x3F800000, v0;
	vm0 =	vgt.f32 v7, $1.000000000e+00;
	[tilespmem:s29+$0x30] =	vst v8  }
.LBB2_7:
0x59: {  	v7 =	vld [tilespmem:s28+$0x30];
	s26 =	sadd.s32 $0x80, s26;
	[tilespmem:s29+$0xFFFFFFD0] =	vst v6;
	v6 =	vsel vm0, $0x3F800000, v0;
	vm0 =	vgt.f32 v4, $1.000000000e+00  }
0x5a: {  	v8 =	vld [tilespmem:s28+$0xFFFFFFD0];
	p0 =	slt.u32 s26, $0x3F80;
	[tilespmem:s29+$0xFFFFFFE0] =	vst v6;
	v4 =	vsel vm0, $0x3F800000, v0;
	vm0 =	vgt.f32 v2, $1.000000000e+00  }
0x5b: {  	v9 =	vld [tilespmem:s28+$0xFFFFFFE0];
	[tilespmem:s29+$0xFFFFFFF0] =	vst v4;
	v2 =	vsel vm0, $0x3F800000, v0;
	vm0 =	vgt.f32 v1, $1.000000000e+00  }
.Ltmp2:
0x5c: {  	v4 =	vld [tilespmem:s28+$0xFFFFFFF0];
	[tilespmem:s29+$0x0] =	vst v2;
	v1 =	vsel vm0, $0x3F800000, v0;
	vm0 =	vgt.f32 v3, $1.000000000e+00;
	(pc) =	sbr.rel @p0 .LBB2_7-.Ltmp2, $4  }
0x5d: {  	v2 =	vld [tilespmem:s28+$0x0];
	vm1 =	vgt.f32 v5, $1.000000000e+00;
	[tilespmem:s29+$0x10] =	vst v1;
	v3 =	vsel vm0, $0x3F800000, v0  }
0x5e: {  	v1 =	vld [tilespmem:s28+$0x10];
	vm0 =	vgt.f32 v7, $1.000000000e+00;
	v5 =	vsel vm1, $0x3F800000, v0;
	[tilespmem:s29+$0x20] =	vst v3  }
0x5f: {  	vm1 =	vgt.f32 v8, $1.000000000e+00;
	v3 =	vld [tilespmem:s28+$0x20];
	v7 =	vsel vm0, $0x3F800000, v0;
	[tilespmem:s29+$0xFFFFFFC0] =	vst v5;
	s29 =	sadd.s32 $0x80, s29  }
0x60: {  	v5 =	vld [tilespmem:s28+$0xFFFFFFC0];
	v6 =	vsel vm1, $0x3F800000, v0;
	vm0 =	vgt.f32 v9, $1.000000000e+00;
	[tilespmem:s29+$0x30] =	vst v7;
	s28 =	sadd.s32 $0x80, s28  }
0x61: {  	[tilespmem:s29+$0xFFFFFFD0] =	vst v6;
	v6 =	vsel vm0, $0x3F800000, v0;
	vm0 =	vgt.f32 v4, $1.000000000e+00  }
0x62: {  	[tilespmem:s29+$0xFFFFFFE0] =	vst v6;
	v4 =	vsel vm0, $0x3F800000, v0;
	vm0 =	vgt.f32 v2, $1.000000000e+00  }
0x63: {  	[tilespmem:s29+$0xFFFFFFF0] =	vst v4;
	v2 =	vsel vm0, $0x3F800000, v0;
	vm0 =	vgt.f32 v1, $1.000000000e+00  }
0x64: {  	s26 =	sshll.u32 s25, $0xF;
	[tilespmem:s29+$0x0] =	vst v2;
	v1 =	vsel vm0, $0x3F800000, v0;
	vm0 =	vgt.f32 v3, $1.000000000e+00  }
0x65: {  	s28 =	sor.u32 s5, s26;
	vm1 =	vgt.f32 v5, $1.000000000e+00;
	[tilespmem:s29+$0x10] =	vst v1;
	v1 =	vsel vm0, $0x3F800000, v0  }
0x66: {  	s28 =	sshrl.u32 s28, $0x3;
	v2 =	vsel vm1, $0x3F800000, v0;
	[tilespmem:s29+$0x20] =	vst v1  }
0x67: {  	[tilespmem:s29+$0xFFFFFFC0] =	vst v2;
	s29 =	sadd.s32 s3, s28  }
0x68: {  	[hbm4b:s29+s4] =	stream.linear.scatter [tilespmem:s19], [sflag:$0x3], $0x4000, $0x38;
	[tilespmem:$0x10000] =	vst v63  }
0x69: {  	s29 =	sadd.s32 s26, s12  }
0x6a: {  	s29 =	sshrl.u32 s29, $0x3  }
0x6b: {  	s29 =	sadd.s32 s2, s29  }
0x6c: {  	[tilespmem:s4], [sflag:$0x1] =	stream.linear.gather [hbm4b:s29+s4], $0x4000, $0x38;
	[tilespmem:$0x10000] =	vst v63  }
0x6d: {  	_ =	swait.ge [sflag:s20], $0x4000  }
0x6e: {  	[sflag:s20] =	ssyncset.done $0x0  }
0x6f: {  	[sflag:s20] =	ssyncadd.s32 $0xFFFFC000  }
0x70: {  	_ =	swait.ge [sflag:s23], $0x4000  }
0x71: {  	[sflag:s23] =	ssyncset.done $0x0  }
0x72: {  	s31 =	simm.s32 $0x4040;
	[sflag:s23] =	ssyncadd.s32 $0xFFFFC000  }
0x73: {  	v3 =	vld [tilespmem:s31+$0x30]  }
0x74: {  	v5 =	vld [tilespmem:s31+$0xFFFFFFD0]  }
0x75: {  	v7 =	vld [tilespmem:s31+$0xFFFFFFE0]  }
0x76: {  	v4 =	vld [tilespmem:s31+$0xFFFFFFF0]  }
0x77: {  	v2 =	vld [tilespmem:s31+$0x0]  }
0x78: {  	v1 =	vld [tilespmem:s31+$0x10];
	vm0 =	vgt.f32 v3, $1.000000000e+00  }
0x79: {  	s29 =	simm.s32 $0xC040;
	vm1 =	vgt.f32 v5, $1.000000000e+00;
	v3 =	vld [tilespmem:s31+$0x20];
	v8 =	vsel vm0, $0x3F800000, v0  }
0x7a: {  	s30 =	simm.s32 $0x0;
	v5 =	vld [tilespmem:s31+$0xFFFFFFC0];
	s31 =	simm.s32 $0x40C0;
	v6 =	vsel vm1, $0x3F800000, v0;
	vm0 =	vgt.f32 v7, $1.000000000e+00;
	[tilespmem:s29+$0x30] =	vst v8  }
.LBB2_9:
0x7b: {  	v7 =	vld [tilespmem:s31+$0x30];
	s30 =	sadd.s32 $0x80, s30;
	[tilespmem:s29+$0xFFFFFFD0] =	vst v6;
	v6 =	vsel vm0, $0x3F800000, v0;
	vm0 =	vgt.f32 v4, $1.000000000e+00  }
0x7c: {  	v8 =	vld [tilespmem:s31+$0xFFFFFFD0];
	p0 =	slt.u32 s30, $0x3F80;
	[tilespmem:s29+$0xFFFFFFE0] =	vst v6;
	v4 =	vsel vm0, $0x3F800000, v0;
	vm0 =	vgt.f32 v2, $1.000000000e+00  }
0x7d: {  	v9 =	vld [tilespmem:s31+$0xFFFFFFE0];
	[tilespmem:s29+$0xFFFFFFF0] =	vst v4;
	v2 =	vsel vm0, $0x3F800000, v0;
	vm0 =	vgt.f32 v1, $1.000000000e+00  }
.Ltmp3:
0x7e: {  	v4 =	vld [tilespmem:s31+$0xFFFFFFF0];
	[tilespmem:s29+$0x0] =	vst v2;
	v1 =	vsel vm0, $0x3F800000, v0;
	vm0 =	vgt.f32 v3, $1.000000000e+00;
	(pc) =	sbr.rel @p0 .LBB2_9-.Ltmp3, $4  }
0x7f: {  	v2 =	vld [tilespmem:s31+$0x0];
	vm1 =	vgt.f32 v5, $1.000000000e+00;
	[tilespmem:s29+$0x10] =	vst v1;
	v3 =	vsel vm0, $0x3F800000, v0  }
0x80: {  	v1 =	vld [tilespmem:s31+$0x10];
	vm0 =	vgt.f32 v7, $1.000000000e+00;
	v5 =	vsel vm1, $0x3F800000, v0;
	[tilespmem:s29+$0x20] =	vst v3  }
0x81: {  	vm1 =	vgt.f32 v8, $1.000000000e+00;
	v3 =	vld [tilespmem:s31+$0x20];
	v7 =	vsel vm0, $0x3F800000, v0;
	[tilespmem:s29+$0xFFFFFFC0] =	vst v5;
	s29 =	sadd.s32 $0x80, s29  }
0x82: {  	v5 =	vld [tilespmem:s31+$0xFFFFFFC0];
	v6 =	vsel vm1, $0x3F800000, v0;
	vm0 =	vgt.f32 v9, $1.000000000e+00;
	[tilespmem:s29+$0x30] =	vst v7;
	s31 =	sadd.s32 $0x80, s31  }
0x83: {  	[tilespmem:s29+$0xFFFFFFD0] =	vst v6;
	v63 =	vsel vm0, $0x3F800000, v0;
	vm12 =	vgt.f32 v4, $1.000000000e+00  }
0x84: {  	[tilespmem:s29+$0xFFFFFFE0] =	vst v63;
	v4 =	vsel vm12, $0x3F800000, v0;
	vm13 =	vgt.f32 v2, $1.000000000e+00  }
0x85: {  	[tilespmem:s29+$0xFFFFFFF0] =	vst v4;
	v2 =	vsel vm13, $0x3F800000, v0;
	vm14 =	vgt.f32 v1, $1.000000000e+00  }
0x86: {  	s25 =	sadd.s32 $0x1, s25;
	[tilespmem:s29+$0x0] =	vst v2;
	v1 =	vsel vm14, $0x3F800000, v0;
	vm15 =	vgt.f32 v3, $1.000000000e+00  }
0x87: {  	p0 =	sne.s32 s25, $0xF;
	vm1 =	vgt.f32 v5, $1.000000000e+00;
	[tilespmem:s29+$0x10] =	vst v1;
	v1 =	vsel vm15, $0x3F800000, v0  }
.Ltmp4:
0x88: {  	s28 =	sadd.s32 s28, s3;
	s26 =	sadd.s32 s26, s13;
	v2 =	vsel vm1, $0x3F800000, v0;
	[tilespmem:s29+$0x20] =	vst v1;
	(pc) =	sbr.rel @p0 .LBB2_6-.Ltmp4, $4  }
0x89: {  	s28 =	sadd.s32 $0x800, s28;
	s26 =	sshrl.u32 s26, $0x3;
	[tilespmem:s29+$0xFFFFFFC0] =	vst v2  }
0x8a: {  	[hbm4b:s28+s4] =	stream.linear.scatter [tilespmem:s21], [sflag:$0x4], $0x4000, $0x38;
	[tilespmem:$0x10000] =	vst v63  }
0x8b: {  	s26 =	sadd.s32 s2, s26  }
0x8c: {  	[tilespmem:s17], [sflag:$0x2] =	stream.linear.gather [hbm4b:s26+s4], $0x4000, $0x38;
	[tilespmem:$0x10000] =	vst v63  }
0x8d: {  	_ =	swait.ge [sflag:s18], $0x4000  }
0x8e: {  	[sflag:s18] =	ssyncset.done $0x0  }
0x8f: {  	[sflag:s18] =	ssyncadd.s32 $0xFFFFC000  }
0x90: {  	_ =	swait.ge [sflag:s22], $0x4000  }
0x91: {  	[sflag:s22] =	ssyncset.done $0x0  }
0x92: {  	s28 =	simm.s32 $0x40;
	[sflag:s22] =	ssyncadd.s32 $0xFFFFC000  }
0x93: {  	v3 =	vld [tilespmem:s28+$0x30]  }
0x94: {  	v5 =	vld [tilespmem:s28+$0xFFFFFFD0]  }
0x95: {  	v7 =	vld [tilespmem:s28+$0xFFFFFFE0]  }
0x96: {  	v4 =	vld [tilespmem:s28+$0xFFFFFFF0]  }
0x97: {  	v2 =	vld [tilespmem:s28+$0x0]  }
0x98: {  	v1 =	vld [tilespmem:s28+$0x10];
	vm0 =	vgt.f32 v3, $1.000000000e+00  }
0x99: {  	s25 =	simm.s32 $0x8040;
	vm1 =	vgt.f32 v5, $1.000000000e+00;
	v3 =	vld [tilespmem:s28+$0x20];
	v8 =	vsel vm0, $0x3F800000, v0  }
0x9a: {  	s26 =	simm.s32 $0x0;
	v5 =	vld [tilespmem:s28+$0xFFFFFFC0];
	s28 =	simm.s32 $0xC0;
	v6 =	vsel vm1, $0x3F800000, v0;
	vm0 =	vgt.f32 v7, $1.000000000e+00;
	[tilespmem:s25+$0x30] =	vst v8  }
.LBB2_12:
0x9b: {  	v7 =	vld [tilespmem:s28+$0x30];
	s26 =	sadd.s32 $0x80, s26;
	[tilespmem:s25+$0xFFFFFFD0] =	vst v6;
	v6 =	vsel vm0, $0x3F800000, v0;
	vm0 =	vgt.f32 v4, $1.000000000e+00  }
0x9c: {  	v8 =	vld [tilespmem:s28+$0xFFFFFFD0];
	p0 =	slt.u32 s26, $0x3F80;
	[tilespmem:s25+$0xFFFFFFE0] =	vst v6;
	v4 =	vsel vm0, $0x3F800000, v0;
	vm0 =	vgt.f32 v2, $1.000000000e+00  }
0x9d: {  	v9 =	vld [tilespmem:s28+$0xFFFFFFE0];
	[tilespmem:s25+$0xFFFFFFF0] =	vst v4;
	v2 =	vsel vm0, $0x3F800000, v0;
	vm0 =	vgt.f32 v1, $1.000000000e+00  }
.Ltmp5:
0x9e: {  	v4 =	vld [tilespmem:s28+$0xFFFFFFF0];
	[tilespmem:s25+$0x0] =	vst v2;
	v1 =	vsel vm0, $0x3F800000, v0;
	vm0 =	vgt.f32 v3, $1.000000000e+00;
	(pc) =	sbr.rel @p0 .LBB2_12-.Ltmp5, $4  }
0x9f: {  	v2 =	vld [tilespmem:s28+$0x0];
	vm1 =	vgt.f32 v5, $1.000000000e+00;
	[tilespmem:s25+$0x10] =	vst v1;
	v3 =	vsel vm0, $0x3F800000, v0  }
0xa0: {  	v1 =	vld [tilespmem:s28+$0x10];
	vm0 =	vgt.f32 v7, $1.000000000e+00;
	v5 =	vsel vm1, $0x3F800000, v0;
	[tilespmem:s25+$0x20] =	vst v3  }
0xa1: {  	vm1 =	vgt.f32 v8, $1.000000000e+00;
	v3 =	vld [tilespmem:s28+$0x20];
	v7 =	vsel vm0, $0x3F800000, v0;
	[tilespmem:s25+$0xFFFFFFC0] =	vst v5;
	s25 =	sadd.s32 $0x80, s25  }
0xa2: {  	v5 =	vld [tilespmem:s28+$0xFFFFFFC0];
	v6 =	vsel vm1, $0x3F800000, v0;
	vm0 =	vgt.f32 v9, $1.000000000e+00;
	[tilespmem:s25+$0x30] =	vst v7;
	s28 =	sadd.s32 $0x80, s28  }
0xa3: {  	[tilespmem:s25+$0xFFFFFFD0] =	vst v6;
	v6 =	vsel vm0, $0x3F800000, v0;
	vm0 =	vgt.f32 v4, $1.000000000e+00  }
0xa4: {  	[tilespmem:s25+$0xFFFFFFE0] =	vst v6;
	v4 =	vsel vm0, $0x3F800000, v0;
	vm0 =	vgt.f32 v2, $1.000000000e+00  }
0xa5: {  	[tilespmem:s25+$0xFFFFFFF0] =	vst v4;
	v2 =	vsel vm0, $0x3F800000, v0;
	vm0 =	vgt.f32 v1, $1.000000000e+00  }
0xa6: {  	[tilespmem:s25+$0x0] =	vst v2;
	v1 =	vsel vm0, $0x3F800000, v0;
	vm0 =	vgt.f32 v3, $1.000000000e+00  }
0xa7: {  	vm1 =	vgt.f32 v5, $1.000000000e+00;
	[tilespmem:s25+$0x10] =	vst v1;
	v1 =	vsel vm0, $0x3F800000, v0  }
0xa8: {  	v2 =	vsel vm1, $0x3F800000, v0;
	[tilespmem:s25+$0x20] =	vst v1  }
0xa9: {  	[tilespmem:s25+$0xFFFFFFC0] =	vst v2  }
0xaa: {  	[hbm4b:s14+s4] =	stream.linear.scatter [tilespmem:s19], [sflag:$0x3], $0x4000, $0x38;
	[tilespmem:$0x10000] =	vst v63  }
0xab: {  	_ =	swait.ge [sflag:s20], $0x4000  }
0xac: {  	[sflag:s20] =	ssyncset.done $0x0  }
0xad: {  	[sflag:s20] =	ssyncadd.s32 $0xFFFFC000  }
0xae: {  	_ =	swait.ge [sflag:s23], $0x4000  }
0xaf: {  	[sflag:s23] =	ssyncset.done $0x0  }
0xb0: {  	s28 =	simm.s32 $0x4040;
	[sflag:s23] =	ssyncadd.s32 $0xFFFFC000  }
0xb1: {  	v3 =	vld [tilespmem:s28+$0x30]  }
0xb2: {  	v5 =	vld [tilespmem:s28+$0xFFFFFFD0]  }
0xb3: {  	v7 =	vld [tilespmem:s28+$0xFFFFFFE0]  }
0xb4: {  	v4 =	vld [tilespmem:s28+$0xFFFFFFF0]  }
0xb5: {  	v2 =	vld [tilespmem:s28+$0x0]  }
0xb6: {  	v1 =	vld [tilespmem:s28+$0x10];
	vm0 =	vgt.f32 v3, $1.000000000e+00  }
0xb7: {  	s25 =	simm.s32 $0xC040;
	vm1 =	vgt.f32 v5, $1.000000000e+00;
	v3 =	vld [tilespmem:s28+$0x20];
	v8 =	vsel vm0, $0x3F800000, v0  }
0xb8: {  	s26 =	simm.s32 $0x0;
	v5 =	vld [tilespmem:s28+$0xFFFFFFC0];
	s28 =	simm.s32 $0x40C0;
	v6 =	vsel vm1, $0x3F800000, v0;
	vm0 =	vgt.f32 v7, $1.000000000e+00;
	[tilespmem:s25+$0x30] =	vst v8  }
.LBB2_14:
0xb9: {  	v7 =	vld [tilespmem:s28+$0x30];
	s26 =	sadd.s32 $0x80, s26;
	[tilespmem:s25+$0xFFFFFFD0] =	vst v6;
	v6 =	vsel vm0, $0x3F800000, v0;
	vm0 =	vgt.f32 v4, $1.000000000e+00  }
0xba: {  	v8 =	vld [tilespmem:s28+$0xFFFFFFD0];
	p0 =	slt.u32 s26, $0x3F80;
	[tilespmem:s25+$0xFFFFFFE0] =	vst v6;
	v4 =	vsel vm0, $0x3F800000, v0;
	vm0 =	vgt.f32 v2, $1.000000000e+00  }
0xbb: {  	v9 =	vld [tilespmem:s28+$0xFFFFFFE0];
	[tilespmem:s25+$0xFFFFFFF0] =	vst v4;
	v2 =	vsel vm0, $0x3F800000, v0;
	vm0 =	vgt.f32 v1, $1.000000000e+00  }
.Ltmp6:
0xbc: {  	v4 =	vld [tilespmem:s28+$0xFFFFFFF0];
	[tilespmem:s25+$0x0] =	vst v2;
	v1 =	vsel vm0, $0x3F800000, v0;
	vm0 =	vgt.f32 v3, $1.000000000e+00;
	(pc) =	sbr.rel @p0 .LBB2_14-.Ltmp6, $4  }
0xbd: {  	v2 =	vld [tilespmem:s28+$0x0];
	vm1 =	vgt.f32 v5, $1.000000000e+00;
	[tilespmem:s25+$0x10] =	vst v1;
	v3 =	vsel vm0, $0x3F800000, v0  }
0xbe: {  	v1 =	vld [tilespmem:s28+$0x10];
	vm0 =	vgt.f32 v7, $1.000000000e+00;
	v5 =	vsel vm1, $0x3F800000, v0;
	[tilespmem:s25+$0x20] =	vst v3  }
0xbf: {  	vm1 =	vgt.f32 v8, $1.000000000e+00;
	v3 =	vld [tilespmem:s28+$0x20];
	v7 =	vsel vm0, $0x3F800000, v0;
	[tilespmem:s25+$0xFFFFFFC0] =	vst v5;
	s25 =	sadd.s32 $0x80, s25  }
0xc0: {  	v5 =	vld [tilespmem:s28+$0xFFFFFFC0];
	v6 =	vsel vm1, $0x3F800000, v0;
	vm0 =	vgt.f32 v9, $1.000000000e+00;
	[tilespmem:s25+$0x30] =	vst v7;
	s28 =	sadd.s32 $0x80, s28  }
0xc1: {  	[tilespmem:s25+$0xFFFFFFD0] =	vst v6;
	v63 =	vsel vm0, $0x3F800000, v0;
	vm12 =	vgt.f32 v4, $1.000000000e+00  }
0xc2: {  	[tilespmem:s25+$0xFFFFFFE0] =	vst v63;
	v4 =	vsel vm12, $0x3F800000, v0;
	vm13 =	vgt.f32 v2, $1.000000000e+00  }
0xc3: {  	[tilespmem:s25+$0xFFFFFFF0] =	vst v4;
	v2 =	vsel vm13, $0x3F800000, v0;
	vm14 =	vgt.f32 v1, $1.000000000e+00  }
0xc4: {  	[tilespmem:s25+$0x0] =	vst v2;
	v1 =	vsel vm14, $0x3F800000, v0;
	vm15 =	vgt.f32 v3, $1.000000000e+00  }
0xc5: {  	vm1 =	vgt.f32 v5, $1.000000000e+00;
	[tilespmem:s25+$0x10] =	vst v1;
	v1 =	vsel vm15, $0x3F800000, v0  }
0xc6: {  	v2 =	vsel vm1, $0x3F800000, v0;
	[tilespmem:s25+$0x20] =	vst v1  }
0xc7: {  	s24 =	sadd.s32 $0x1, s24;
	[tilespmem:s25+$0xFFFFFFC0] =	vst v2  }
0xc8: {  	[hbm4b:s15+s4] =	stream.linear.scatter [tilespmem:s21], [sflag:$0x4], $0x4000, $0x38;
	[tilespmem:$0x10000] =	vst v63  }
0xc9: {  	p0 =	sne.s32 s24, s16;
	_ =	swait.ge [sflag:s22], $0x4000  }
.Ltmp7:
0xca: {  	[sflag:s22] =	ssyncset.done $0x0;
	(pc) =	sbr.rel @p0 .LBB2_1-.Ltmp7, $4  }
0xcb: {  	[sflag:s22] =	ssyncadd.s32 $0xFFFFC000  }
0xcc: {  	_ =	swait.ge [sflag:s23], $0x4000  }
0xcd: {  	[sflag:s23] =	ssyncset.done $0x0  }
0xce: {  	[sflag:s23] =	ssyncadd.s32 $0xFFFFC000  }
0xcf: {  	_ =	sfence.sel $0x180000  }
0xd0: {  	[bflag:$0x0] =	sbarrier.arrive $0xFFFF  }
0xd1: {  	p0 =	sne.s32 s1, $0x0;
	_ =	strace $0x90000047  }
0xd2: {  	s0 =	sadd.s32 @!p0 $0x100000, s0;
	[bflag:$0x2] =	sbarrier.arrive $0xFFFF  }
0xd3: {  	[sflag:s0] =	ssyncadd.tile.s32 @!p0 $0x1;
	_ =	shalt  }
.Lfunc_end2:
_tile_overlayer_lowered:
.L_overlay_start_2:
0xd4: {  	(tag) =	ssettag $0x2  }
0xd5: {  	s0 =	rddreg [dreg:$0x0];
	s2 =	stileid.u32  }
0xd6: {  	s1 =	rddreg [dreg:$0x1];
	p0 =	sne.s32 s2, $0x0  }
0xd7: {  	s3 =	rddreg [dreg:$0x2];
	[bflag:$0x3] =	sbarrier.arrive $0xFFFF;
	s2 =	simm.s32 @!p0 $0x1C05  }
0xd8: {  	[timem:s3], [sflag:s2] =	dma.local @!p0 [hbm:s0], s1  }
0xd9: {  	s0 =	simm.s32 @!p0 $0x5  }
0xda: {  	_ =	swait.ge @!p0 [sflag:s0], s1  }
0xdb: {  	s1 =	ssub.s32 @!p0 $0x0, s1;
	[sflag:s0] =	ssyncset.done @!p0 $0x0  }
0xdc: {  	[sflag:s0] =	ssyncadd.s32 @!p0 s1  }
0xdd: {  	[bflag:$0x3] =	sbarrier.arrive $0xFFFF  }
0xde: {  	_ =	shalt  }

</sc_bundles>
